<compile_context>
chip_gen: v7x
topology: tpu7x:2x2x1
jax: 0.10.2.dev20260603
libtpu: 0.0.44.dev20260713+nightly
codegen_flags: <defaults>
</compile_context>

<pallas_src>
import functools

import jax
import jax.numpy as jnp
from jax import lax
from jax.experimental import pallas as pl
from jax.experimental.pallas import tpu as pltpu
from jax.experimental.pallas import tpu_sc as plsc

NUM_CORES = 2
NUM_SUBCORES = 16
NUM_WORKERS = NUM_CORES * NUM_SUBCORES
CHUNK = 128
GS = 2
NBUF = 2


@functools.partial(jax.jit, static_argnames=("total", "dim", "nchunk"))
def _gather_sc(idx, table, *, total, dim, nchunk):
    ngrp = nchunk // GS
    grows = GS * CHUNK
    mesh = plsc.VectorSubcoreMesh(
        core_axis_name="c", subcore_axis_name="s",
        num_cores=NUM_CORES, num_subcores=NUM_SUBCORES)

    @functools.partial(
        pl.kernel,
        out_type=jax.ShapeDtypeStruct((total, 128), table.dtype),
        mesh=mesh,
        compiler_params=pltpu.CompilerParams(use_tc_tiling_on_sc=True),
        scratch_types=[
            pltpu.VMEM((nchunk, CHUNK), jnp.int32),
            pltpu.VMEM((NBUF, grows, 128), table.dtype),
            pltpu.SemaphoreType.DMA,
            pltpu.SemaphoreType.DMA,
            pltpu.SemaphoreType.DMA,
            pltpu.SemaphoreType.DMA,
        ],
    )
    def body(idx_hbm, table_hbm, out_hbm, idx_v, rows_v, g0, g1, w0, w1):
        gsems = (g0, g1)
        wsems = (w0, w1)
        wid = lax.axis_index("s") * NUM_CORES + lax.axis_index("c")
        base = wid * (nchunk * CHUNK)
        pltpu.sync_copy(idx_hbm.at[wid], idx_v)

        def fire(g, gb):
            for c in range(GS):
                pltpu.async_copy(
                    table_hbm.at[idx_v.at[g * GS + c]],
                    rows_v.at[gb].at[pl.ds(c * CHUNK, CHUNK)],
                    gsems[gb])

        def drain(g, gb):
            for c in range(GS):
                pltpu.make_async_copy(
                    table_hbm.at[idx_v.at[g * GS + c]],
                    rows_v.at[gb].at[pl.ds(c * CHUNK, CHUNK)],
                    gsems[gb]).wait()

        def wb(g, gb):
            return pltpu.make_async_copy(
                rows_v.at[gb], out_hbm.at[pl.ds(base + g * grows, grows)],
                wsems[gb])

        fire(0, 0)

        def step(go, carry):
            for gg in range(NBUF):
                g = go * NBUF + gg
                nxt = g + 1
                @pl.when(nxt < ngrp)
                def _():
                    @pl.when(g >= 1)
                    def _():
                        wb(g - 1, 1 - gg).wait()
                    fire(nxt, 1 - gg)

                drain(g, gg)
                wb(g, gg).start()
            return carry

        lax.fori_loop(0, ngrp // NBUF, step, 0)
        if ngrp % NBUF:
            drain(ngrp - 1, 0)
            wb(ngrp - 1, 0).start()
            wb(ngrp - 2, 1).wait()
            wb(ngrp - 1, 0).wait()
        else:
            for gg in range(NBUF):
                wb(ngrp - NBUF + gg, gg).wait()

    return body(idx, table)


def kernel(indices, table):
    bsz, seq = indices.shape
    dim = table.shape[1]
    total = bsz * seq
    assert total % (NUM_WORKERS * CHUNK * GS) == 0
    nchunk = total // (NUM_WORKERS * CHUNK)
    idx = indices.astype(jnp.int32).T.reshape(NUM_WORKERS, nchunk, CHUNK)
    table_p = jnp.pad(table, ((0, 0), (0, 128 - dim)))
    out = _gather_sc(idx, table_p, total=total, dim=dim, nchunk=nchunk)
    return out[:, :dim].reshape(seq, bsz, dim).transpose(1, 0, 2)

# --- scband reference (transcript-rebuilt; emitter-appended) ---
"""Pipeline reference for scband-embedding-layer-24824910971233 (READ-ONLY COPY).

The authoritative reference and input builder live on the scoring server;
editing this copy changes nothing except your own understanding.
"""

import jax, jax.numpy as jnp
import numpy as np

VOCAB = 1000000
DIM = 64
PAD_ID = 0


def setup_inputs(seed: int = 0) -> dict:
    key = jax.random.key(seed)
    k_idx, k_tab = jax.random.split(key)
    indices = jax.random.randint(k_idx, (4096, 50), 0, VOCAB)
    table = jax.random.normal(k_tab, (VOCAB, DIM), dtype=jnp.float32)
    # nn.Embedding with padding_idx initializes the pad row to zeros
    table = table.at[PAD_ID].set(0.0)
    return {"indices": indices, "table": table}


def reference(indices, table):
    # shared src/tgt embedding: forward is a table gather with the pad row
    # held at zero (padding_idx semantics of nn.Embedding)
    table_z = table.at[PAD_ID].set(0.0)
    out = jnp.take(table_z, indices, axis=0)  # [B, L, DIM]
    return out

if __name__ == "__main__":
    import jax
    _d = setup_inputs()
    print(jax.jit(kernel)(*tuple(_d.values())))

</pallas_src>

<mosaic_0001>
#map = affine_map<(d0, d1) -> (0, 0, 0)>
#map1 = affine_map<(d0, d1) -> (0, 0)>
module attributes {stable_mosaic.version = 14 : i64} {
  func.func @body(%arg0: i32, %arg1: i32, %arg2: memref<32x50x128xi32, #tpu.memory_space<hbm>>, %arg3: memref<1000000x128xf32, #tpu.memory_space<hbm>>, %arg4: memref<204800x128xf32, #tpu.memory_space<hbm>>, %arg5: memref<50x128xi32, #tpu.memory_space<vmem>>, %arg6: memref<2x256x128xf32, #tpu.memory_space<vmem>>, %arg7: memref<!tpu.dma_semaphore, #tpu.memory_space<semaphore_mem>>, %arg8: memref<!tpu.dma_semaphore, #tpu.memory_space<semaphore_mem>>, %arg9: memref<!tpu.dma_semaphore, #tpu.memory_space<semaphore_mem>>, %arg10: memref<!tpu.dma_semaphore, #tpu.memory_space<semaphore_mem>>) attributes {dimension_semantics = [#tpu.dimension_semantics<core_parallel>, #tpu.dimension_semantics<subcore_parallel>], iteration_bounds = array<i64: 2, 16>, scalar_prefetch = 0 : i64, scratch_operands = 6 : i64, tpu.core_type = #tpu.core_type<sc_vector_subcore>, window_params = [{transform_indices = #map}, {transform_indices = #map1}, {transform_indices = #map1}]} {
    %mul3A = arith.constant 2 : i32
    %mul3A_0 = arith.muli %arg1, %mul3A : i32
    %add3A = arith.addi %mul3A_0, %arg0 : i32
    %mul3A_1 = arith.constant 6400 : i32
    %mul3A_2 = arith.muli %add3A, %mul3A_1 : i32
    "tpu.region"() ({
      %run_scoped3A = tpu.sem_alloc : memref<!tpu.dma_semaphore, #tpu.memory_space<semaphore_mem>>
      %dma_start3A_111 = arith.constant 0 : i32
      %dma_start3A_112 = arith.constant 0 : i32
      %dma_start3A_113 = tpu.memref_slice %arg2[%add3A, %dma_start3A_111, %dma_start3A_112] : memref<32x50x128xi32, #tpu.memory_space<hbm>> -> memref<1x50x128xi32, #tpu.memory_space<hbm>>
      %dma_start3A_114 = tpu.memref_squeeze %dma_start3A_113 : memref<1x50x128xi32, #tpu.memory_space<hbm>> -> memref<50x128xi32, #tpu.memory_space<hbm>>
      %dma_start3A_115 = arith.constant 0 : i32
      %dma_start3A_116 = arith.constant 0 : i32
      %dma_start3A_117 = tpu.memref_slice %arg2[%add3A, %dma_start3A_115, %dma_start3A_116] : memref<32x50x128xi32, #tpu.memory_space<hbm>> -> memref<1x50x128xi32, #tpu.memory_space<hbm>>
      %dma_start3A_118 = tpu.memref_squeeze %dma_start3A_117 : memref<1x50x128xi32, #tpu.memory_space<hbm>> -> memref<50x128xi32, #tpu.memory_space<hbm>>
      tpu.enqueue_dma source(%dma_start3A_118 : memref<50x128xi32, #tpu.memory_space<hbm>>) target(%arg5 : memref<50x128xi32, #tpu.memory_space<vmem>>) target_semaphore(%run_scoped3A : memref<!tpu.dma_semaphore, #tpu.memory_space<semaphore_mem>>)
      %dma_wait3A_119 = arith.constant 0 : i32
      %dma_wait3A_120 = arith.constant 0 : i32
      %dma_wait3A_121 = tpu.memref_slice %arg2[%add3A, %dma_wait3A_119, %dma_wait3A_120] : memref<32x50x128xi32, #tpu.memory_space<hbm>> -> memref<1x50x128xi32, #tpu.memory_space<hbm>>
      %dma_wait3A_122 = tpu.memref_squeeze %dma_wait3A_121 : memref<1x50x128xi32, #tpu.memory_space<hbm>> -> memref<50x128xi32, #tpu.memory_space<hbm>>
      %dma_wait3A_123 = arith.constant 0 : i32
      %dma_wait3A_124 = arith.constant 0 : i32
      %dma_wait3A_125 = tpu.memref_slice %arg2[%add3A, %dma_wait3A_123, %dma_wait3A_124] : memref<32x50x128xi32, #tpu.memory_space<hbm>> -> memref<1x50x128xi32, #tpu.memory_space<hbm>>
      %dma_wait3A_126 = tpu.memref_squeeze %dma_wait3A_125 : memref<1x50x128xi32, #tpu.memory_space<hbm>> -> memref<50x128xi32, #tpu.memory_space<hbm>>
      tpu.wait_dma2 semaphore(%run_scoped3A : memref<!tpu.dma_semaphore, #tpu.memory_space<semaphore_mem>>) src(%dma_wait3A_126 : memref<50x128xi32, #tpu.memory_space<hbm>>) dst(%arg5 : memref<50x128xi32, #tpu.memory_space<vmem>>)
      tpu.yield
    }) : () -> ()
    %dma_start3A = arith.constant 0 : i32
    %dma_start3A_3 = arith.constant 0 : i32
    %dma_start3A_4 = arith.constant 0 : i32
    %dma_start3A_5 = arith.constant 0 : i32
    %dma_start3A_6 = tpu.memref_slice %arg6[%dma_start3A_3, %dma_start3A_4, %dma_start3A_5] : memref<2x256x128xf32, #tpu.memory_space<vmem>> -> memref<1x256x128xf32, #tpu.memory_space<vmem>>
    %dma_start3A_7 = tpu.memref_squeeze %dma_start3A_6 : memref<1x256x128xf32, #tpu.memory_space<vmem>> -> memref<256x128xf32, #tpu.memory_space<vmem>>
    %dma_start3A_8 = arith.constant 0 : i32
    %dma_start3A_9 = arith.constant 0 : i32
    %dma_start3A_10 = tpu.memref_slice %dma_start3A_7[%dma_start3A_8, %dma_start3A_9] : memref<256x128xf32, #tpu.memory_space<vmem>> -> memref<128x128xf32, #tpu.memory_space<vmem>>
    %dma_start3A_11 = arith.constant 0 : i32
    %dma_start3A_12 = tpu.memref_slice %arg5[%dma_start3A, %dma_start3A_11] : memref<50x128xi32, #tpu.memory_space<vmem>> -> memref<1x128xi32, #tpu.memory_space<vmem>>
    %dma_start3A_13 = tpu.memref_squeeze %dma_start3A_12 : memref<1x128xi32, #tpu.memory_space<vmem>> -> memref<128xi32, #tpu.memory_space<vmem>>
    %dma_start3A_14 = arith.constant 0 : i32
    %dma_start3A_15 = arith.constant 0 : i32
    %dma_start3A_16 = tpu.memref_slice %arg3[%dma_start3A_14, %dma_start3A_15] : memref<1000000x128xf32, #tpu.memory_space<hbm>> -> memref<1000000x128xf32, #tpu.memory_space<hbm>>
    tpu.enqueue_indirect_dma source(%dma_start3A_16 : memref<1000000x128xf32, #tpu.memory_space<hbm>>) target(%dma_start3A_10 : memref<128x128xf32, #tpu.memory_space<vmem>>) offsets(%dma_start3A_13 : memref<128xi32, #tpu.memory_space<vmem>>) semaphore(%arg7 : memref<!tpu.dma_semaphore, #tpu.memory_space<semaphore_mem>>)
    %dma_start3A_17 = arith.constant 1 : i32
    %dma_start3A_18 = arith.constant 0 : i32
    %dma_start3A_19 = arith.constant 0 : i32
    %dma_start3A_20 = arith.constant 0 : i32
    %dma_start3A_21 = tpu.memref_slice %arg6[%dma_start3A_18, %dma_start3A_19, %dma_start3A_20] : memref<2x256x128xf32, #tpu.memory_space<vmem>> -> memref<1x256x128xf32, #tpu.memory_space<vmem>>
    %dma_start3A_22 = tpu.memref_squeeze %dma_start3A_21 : memref<1x256x128xf32, #tpu.memory_space<vmem>> -> memref<256x128xf32, #tpu.memory_space<vmem>>
    %dma_start3A_23 = arith.constant 128 : i32
    %dma_start3A_24 = arith.constant 0 : i32
    %dma_start3A_25 = tpu.memref_slice %dma_start3A_22[%dma_start3A_23, %dma_start3A_24] : memref<256x128xf32, #tpu.memory_space<vmem>> -> memref<128x128xf32, #tpu.memory_space<vmem>>
    %dma_start3A_26 = arith.constant 0 : i32
    %dma_start3A_27 = tpu.memref_slice %arg5[%dma_start3A_17, %dma_start3A_26] : memref<50x128xi32, #tpu.memory_space<vmem>> -> memref<1x128xi32, #tpu.memory_space<vmem>>
    %dma_start3A_28 = tpu.memref_squeeze %dma_start3A_27 : memref<1x128xi32, #tpu.memory_space<vmem>> -> memref<128xi32, #tpu.memory_space<vmem>>
    %dma_start3A_29 = arith.constant 0 : i32
    %dma_start3A_30 = arith.constant 0 : i32
    %dma_start3A_31 = tpu.memref_slice %arg3[%dma_start3A_29, %dma_start3A_30] : memref<1000000x128xf32, #tpu.memory_space<hbm>> -> memref<1000000x128xf32, #tpu.memory_space<hbm>>
    tpu.enqueue_indirect_dma source(%dma_start3A_31 : memref<1000000x128xf32, #tpu.memory_space<hbm>>) target(%dma_start3A_25 : memref<128x128xf32, #tpu.memory_space<vmem>>) offsets(%dma_start3A_28 : memref<128xi32, #tpu.memory_space<vmem>>) semaphore(%arg7 : memref<!tpu.dma_semaphore, #tpu.memory_space<semaphore_mem>>)
    %scan3A = arith.constant 0 : i32
    %scan3A_32 = arith.constant 0 : i32
    %scan3A_33 = arith.constant 12 : i32
    %scan3A_34 = arith.addi %scan3A_32, %scan3A_33 : i32
    %scan3A_35 = arith.constant 1 : i32
    scf.for %scan3A_111 = %scan3A_32 to %scan3A_34 step %scan3A_35  : i32 {
      %mul3A_112 = arith.constant 2 : i32
      %mul3A_113 = arith.muli %scan3A_111, %mul3A_112 : i32
      %add3A_114 = arith.constant 0 : i32
      %add3A_115 = arith.addi %mul3A_113, %add3A_114 : i32
      %add3A_116 = arith.constant 1 : i32
      %add3A_117 = arith.addi %add3A_115, %add3A_116 : i32
      %lt3A = arith.constant 25 : i32
      %lt3A_118 = arith.cmpi slt, %add3A_117, %lt3A : i32
      %convert_element_type3A = arith.extui %lt3A_118 : i1 to i32
      %cond3A = arith.constant 0 : i32
      %cond3A_119 = arith.cmpi ne, %convert_element_type3A, %cond3A : i32
      scf.if %cond3A_119 {
        %ge3A = arith.constant 1 : i32
        %ge3A_235 = arith.cmpi sge, %add3A_115, %ge3A : i32
        %convert_element_type3A_236 = arith.extui %ge3A_235 : i1 to i32
        %cond3A_237 = arith.constant 0 : i32
        %cond3A_238 = arith.cmpi ne, %convert_element_type3A_236, %cond3A_237 : i32
        scf.if %cond3A_238 {
          %sub3A = arith.constant 1 : i32
          %sub3A_275 = arith.subi %add3A_115, %sub3A : i32
          %mul3A_276 = arith.constant 256 : i32
          %mul3A_277 = arith.muli %sub3A_275, %mul3A_276 : i32
          %add3A_278 = arith.addi %mul3A_2, %mul3A_277 : i32
          %dma_wait3A_279 = arith.constant 1 : i32
          %dma_wait3A_280 = arith.constant 0 : i32
          %dma_wait3A_281 = arith.constant 0 : i32
          %dma_wait3A_282 = tpu.memref_slice %arg6[%dma_wait3A_279, %dma_wait3A_280, %dma_wait3A_281] : memref<2x256x128xf32, #tpu.memory_space<vmem>> -> memref<1x256x128xf32, #tpu.memory_space<vmem>>
          %dma_wait3A_283 = tpu.memref_squeeze %dma_wait3A_282 : memref<1x256x128xf32, #tpu.memory_space<vmem>> -> memref<256x128xf32, #tpu.memory_space<vmem>>
          %dma_wait3A_284 = arith.constant 0 : i32
          %dma_wait3A_285 = tpu.memref_slice %arg4[%add3A_278, %dma_wait3A_284] : memref<204800x128xf32, #tpu.memory_space<hbm>> -> memref<256x128xf32, #tpu.memory_space<hbm>>
          %dma_wait3A_286 = arith.constant 0 : i32
          %dma_wait3A_287 = tpu.memref_slice %arg4[%add3A_278, %dma_wait3A_286] : memref<204800x128xf32, #tpu.memory_space<hbm>> -> memref<256x128xf32, #tpu.memory_space<hbm>>
          %dma_wait3A_288 = arith.constant 0 : i32
          %dma_wait3A_289 = arith.constant 0 : i32
          %dma_wait3A_290 = tpu.memref_slice %arg6[%dma_wait3A_279, %dma_wait3A_288, %dma_wait3A_289] : memref<2x256x128xf32, #tpu.memory_space<vmem>> -> memref<1x256x128xf32, #tpu.memory_space<vmem>>
          %dma_wait3A_291 = tpu.memref_squeeze %dma_wait3A_290 : memref<1x256x128xf32, #tpu.memory_space<vmem>> -> memref<256x128xf32, #tpu.memory_space<vmem>>
          tpu.wait_dma2 semaphore(%arg10 : memref<!tpu.dma_semaphore, #tpu.memory_space<semaphore_mem>>) src(%dma_wait3A_291 : memref<256x128xf32, #tpu.memory_space<vmem>>) dst(%dma_wait3A_287 : memref<256x128xf32, #tpu.memory_space<hbm>>)
        } else {
        }
        %mul3A_239 = arith.constant 2 : i32
        %mul3A_240 = arith.muli %add3A_117, %mul3A_239 : i32
        %add3A_241 = arith.constant 0 : i32
        %add3A_242 = arith.addi %mul3A_240, %add3A_241 : i32
        %dma_start3A_243 = arith.constant 1 : i32
        %dma_start3A_244 = arith.constant 0 : i32
        %dma_start3A_245 = arith.constant 0 : i32
        %dma_start3A_246 = tpu.memref_slice %arg6[%dma_start3A_243, %dma_start3A_244, %dma_start3A_245] : memref<2x256x128xf32, #tpu.memory_space<vmem>> -> memref<1x256x128xf32, #tpu.memory_space<vmem>>
        %dma_start3A_247 = tpu.memref_squeeze %dma_start3A_246 : memref<1x256x128xf32, #tpu.memory_space<vmem>> -> memref<256x128xf32, #tpu.memory_space<vmem>>
        %dma_start3A_248 = arith.constant 0 : i32
        %dma_start3A_249 = arith.constant 0 : i32
        %dma_start3A_250 = tpu.memref_slice %dma_start3A_247[%dma_start3A_248, %dma_start3A_249] : memref<256x128xf32, #tpu.memory_space<vmem>> -> memref<128x128xf32, #tpu.memory_space<vmem>>
        %dma_start3A_251 = arith.constant 0 : i32
        %dma_start3A_252 = tpu.memref_slice %arg5[%add3A_242, %dma_start3A_251] : memref<50x128xi32, #tpu.memory_space<vmem>> -> memref<1x128xi32, #tpu.memory_space<vmem>>
        %dma_start3A_253 = tpu.memref_squeeze %dma_start3A_252 : memref<1x128xi32, #tpu.memory_space<vmem>> -> memref<128xi32, #tpu.memory_space<vmem>>
        %dma_start3A_254 = arith.constant 0 : i32
        %dma_start3A_255 = arith.constant 0 : i32
        %dma_start3A_256 = tpu.memref_slice %arg3[%dma_start3A_254, %dma_start3A_255] : memref<1000000x128xf32, #tpu.memory_space<hbm>> -> memref<1000000x128xf32, #tpu.memory_space<hbm>>
        tpu.enqueue_indirect_dma source(%dma_start3A_256 : memref<1000000x128xf32, #tpu.memory_space<hbm>>) target(%dma_start3A_250 : memref<128x128xf32, #tpu.memory_space<vmem>>) offsets(%dma_start3A_253 : memref<128xi32, #tpu.memory_space<vmem>>) semaphore(%arg8 : memref<!tpu.dma_semaphore, #tpu.memory_space<semaphore_mem>>)
        %mul3A_257 = arith.constant 2 : i32
        %mul3A_258 = arith.muli %add3A_117, %mul3A_257 : i32
        %add3A_259 = arith.constant 1 : i32
        %add3A_260 = arith.addi %mul3A_258, %add3A_259 : i32
        %dma_start3A_261 = arith.constant 1 : i32
        %dma_start3A_262 = arith.constant 0 : i32
        %dma_start3A_263 = arith.constant 0 : i32
        %dma_start3A_264 = tpu.memref_slice %arg6[%dma_start3A_261, %dma_start3A_262, %dma_start3A_263] : memref<2x256x128xf32, #tpu.memory_space<vmem>> -> memref<1x256x128xf32, #tpu.memory_space<vmem>>
        %dma_start3A_265 = tpu.memref_squeeze %dma_start3A_264 : memref<1x256x128xf32, #tpu.memory_space<vmem>> -> memref<256x128xf32, #tpu.memory_space<vmem>>
        %dma_start3A_266 = arith.constant 128 : i32
        %dma_start3A_267 = arith.constant 0 : i32
        %dma_start3A_268 = tpu.memref_slice %dma_start3A_265[%dma_start3A_266, %dma_start3A_267] : memref<256x128xf32, #tpu.memory_space<vmem>> -> memref<128x128xf32, #tpu.memory_space<vmem>>
        %dma_start3A_269 = arith.constant 0 : i32
        %dma_start3A_270 = tpu.memref_slice %arg5[%add3A_260, %dma_start3A_269] : memref<50x128xi32, #tpu.memory_space<vmem>> -> memref<1x128xi32, #tpu.memory_space<vmem>>
        %dma_start3A_271 = tpu.memref_squeeze %dma_start3A_270 : memref<1x128xi32, #tpu.memory_space<vmem>> -> memref<128xi32, #tpu.memory_space<vmem>>
        %dma_start3A_272 = arith.constant 0 : i32
        %dma_start3A_273 = arith.constant 0 : i32
        %dma_start3A_274 = tpu.memref_slice %arg3[%dma_start3A_272, %dma_start3A_273] : memref<1000000x128xf32, #tpu.memory_space<hbm>> -> memref<1000000x128xf32, #tpu.memory_space<hbm>>
        tpu.enqueue_indirect_dma source(%dma_start3A_274 : memref<1000000x128xf32, #tpu.memory_space<hbm>>) target(%dma_start3A_268 : memref<128x128xf32, #tpu.memory_space<vmem>>) offsets(%dma_start3A_271 : memref<128xi32, #tpu.memory_space<vmem>>) semaphore(%arg8 : memref<!tpu.dma_semaphore, #tpu.memory_space<semaphore_mem>>)
      } else {
      }
      %mul3A_120 = arith.constant 2 : i32
      %mul3A_121 = arith.muli %add3A_115, %mul3A_120 : i32
      %add3A_122 = arith.constant 0 : i32
      %add3A_123 = arith.addi %mul3A_121, %add3A_122 : i32
      %dma_wait3A_124 = arith.constant 0 : i32
      %dma_wait3A_125 = arith.constant 0 : i32
      %dma_wait3A_126 = arith.constant 0 : i32
      %dma_wait3A_127 = tpu.memref_slice %arg6[%dma_wait3A_124, %dma_wait3A_125, %dma_wait3A_126] : memref<2x256x128xf32, #tpu.memory_space<vmem>> -> memref<1x256x128xf32, #tpu.memory_space<vmem>>
      %dma_wait3A_128 = tpu.memref_squeeze %dma_wait3A_127 : memref<1x256x128xf32, #tpu.memory_space<vmem>> -> memref<256x128xf32, #tpu.memory_space<vmem>>
      %dma_wait3A_129 = arith.constant 0 : i32
      %dma_wait3A_130 = arith.constant 0 : i32
      %dma_wait3A_131 = tpu.memref_slice %dma_wait3A_128[%dma_wait3A_129, %dma_wait3A_130] : memref<256x128xf32, #tpu.memory_space<vmem>> -> memref<128x128xf32, #tpu.memory_space<vmem>>
      %dma_wait3A_132 = arith.constant 0 : i32
      %dma_wait3A_133 = tpu.memref_slice %arg5[%add3A_123, %dma_wait3A_132] : memref<50x128xi32, #tpu.memory_space<vmem>> -> memref<1x128xi32, #tpu.memory_space<vmem>>
      %dma_wait3A_134 = tpu.memref_squeeze %dma_wait3A_133 : memref<1x128xi32, #tpu.memory_space<vmem>> -> memref<128xi32, #tpu.memory_space<vmem>>
      %dma_wait3A_135 = arith.constant 0 : i32
      %dma_wait3A_136 = arith.constant 0 : i32
      %dma_wait3A_137 = tpu.memref_slice %arg3[%dma_wait3A_135, %dma_wait3A_136] : memref<1000000x128xf32, #tpu.memory_space<hbm>> -> memref<1000000x128xf32, #tpu.memory_space<hbm>>
      tpu.wait_indirect_dma semaphore(%arg7 : memref<!tpu.dma_semaphore, #tpu.memory_space<semaphore_mem>>) src(%dma_wait3A_137 : memref<1000000x128xf32, #tpu.memory_space<hbm>>) dst(%dma_wait3A_131 : memref<128x128xf32, #tpu.memory_space<vmem>>)
      %mul3A_138 = arith.constant 2 : i32
      %mul3A_139 = arith.muli %add3A_115, %mul3A_138 : i32
      %add3A_140 = arith.constant 1 : i32
      %add3A_141 = arith.addi %mul3A_139, %add3A_140 : i32
      %dma_wait3A_142 = arith.constant 0 : i32
      %dma_wait3A_143 = arith.constant 0 : i32
      %dma_wait3A_144 = arith.constant 0 : i32
      %dma_wait3A_145 = tpu.memref_slice %arg6[%dma_wait3A_142, %dma_wait3A_143, %dma_wait3A_144] : memref<2x256x128xf32, #tpu.memory_space<vmem>> -> memref<1x256x128xf32, #tpu.memory_space<vmem>>
      %dma_wait3A_146 = tpu.memref_squeeze %dma_wait3A_145 : memref<1x256x128xf32, #tpu.memory_space<vmem>> -> memref<256x128xf32, #tpu.memory_space<vmem>>
      %dma_wait3A_147 = arith.constant 128 : i32
      %dma_wait3A_148 = arith.constant 0 : i32
      %dma_wait3A_149 = tpu.memref_slice %dma_wait3A_146[%dma_wait3A_147, %dma_wait3A_148] : memref<256x128xf32, #tpu.memory_space<vmem>> -> memref<128x128xf32, #tpu.memory_space<vmem>>
      %dma_wait3A_150 = arith.constant 0 : i32
      %dma_wait3A_151 = tpu.memref_slice %arg5[%add3A_141, %dma_wait3A_150] : memref<50x128xi32, #tpu.memory_space<vmem>> -> memref<1x128xi32, #tpu.memory_space<vmem>>
      %dma_wait3A_152 = tpu.memref_squeeze %dma_wait3A_151 : memref<1x128xi32, #tpu.memory_space<vmem>> -> memref<128xi32, #tpu.memory_space<vmem>>
      %dma_wait3A_153 = arith.constant 0 : i32
      %dma_wait3A_154 = arith.constant 0 : i32
      %dma_wait3A_155 = tpu.memref_slice %arg3[%dma_wait3A_153, %dma_wait3A_154] : memref<1000000x128xf32, #tpu.memory_space<hbm>> -> memref<1000000x128xf32, #tpu.memory_space<hbm>>
      tpu.wait_indirect_dma semaphore(%arg7 : memref<!tpu.dma_semaphore, #tpu.memory_space<semaphore_mem>>) src(%dma_wait3A_155 : memref<1000000x128xf32, #tpu.memory_space<hbm>>) dst(%dma_wait3A_149 : memref<128x128xf32, #tpu.memory_space<vmem>>)
      %mul3A_156 = arith.constant 256 : i32
      %mul3A_157 = arith.muli %add3A_115, %mul3A_156 : i32
      %add3A_158 = arith.addi %mul3A_2, %mul3A_157 : i32
      %dma_start3A_159 = arith.constant 0 : i32
      %dma_start3A_160 = arith.constant 0 : i32
      %dma_start3A_161 = arith.constant 0 : i32
      %dma_start3A_162 = tpu.memref_slice %arg6[%dma_start3A_159, %dma_start3A_160, %dma_start3A_161] : memref<2x256x128xf32, #tpu.memory_space<vmem>> -> memref<1x256x128xf32, #tpu.memory_space<vmem>>
      %dma_start3A_163 = tpu.memref_squeeze %dma_start3A_162 : memref<1x256x128xf32, #tpu.memory_space<vmem>> -> memref<256x128xf32, #tpu.memory_space<vmem>>
      %dma_start3A_164 = arith.constant 0 : i32
      %dma_start3A_165 = tpu.memref_slice %arg4[%add3A_158, %dma_start3A_164] : memref<204800x128xf32, #tpu.memory_space<hbm>> -> memref<256x128xf32, #tpu.memory_space<hbm>>
      %dma_start3A_166 = arith.constant 0 : i32
      %dma_start3A_167 = tpu.memref_slice %arg4[%add3A_158, %dma_start3A_166] : memref<204800x128xf32, #tpu.memory_space<hbm>> -> memref<256x128xf32, #tpu.memory_space<hbm>>
      %dma_start3A_168 = arith.constant 0 : i32
      %dma_start3A_169 = arith.constant 0 : i32
      %dma_start3A_170 = tpu.memref_slice %arg6[%dma_start3A_159, %dma_start3A_168, %dma_start3A_169] : memref<2x256x128xf32, #tpu.memory_space<vmem>> -> memref<1x256x128xf32, #tpu.memory_space<vmem>>
      %dma_start3A_171 = tpu.memref_squeeze %dma_start3A_170 : memref<1x256x128xf32, #tpu.memory_space<vmem>> -> memref<256x128xf32, #tpu.memory_space<vmem>>
      tpu.enqueue_dma source(%dma_start3A_171 : memref<256x128xf32, #tpu.memory_space<vmem>>) target(%dma_start3A_167 : memref<256x128xf32, #tpu.memory_space<hbm>>) target_semaphore(%arg9 : memref<!tpu.dma_semaphore, #tpu.memory_space<semaphore_mem>>)
      %mul3A_172 = arith.constant 2 : i32
      %mul3A_173 = arith.muli %scan3A_111, %mul3A_172 : i32
      %add3A_174 = arith.constant 1 : i32
      %add3A_175 = arith.addi %mul3A_173, %add3A_174 : i32
      %add3A_176 = arith.constant 1 : i32
      %add3A_177 = arith.addi %add3A_175, %add3A_176 : i32
      %lt3A_178 = arith.constant 25 : i32
      %lt3A_179 = arith.cmpi slt, %add3A_177, %lt3A_178 : i32
      %convert_element_type3A_180 = arith.extui %lt3A_179 : i1 to i32
      %cond3A_181 = arith.constant 0 : i32
      %cond3A_182 = arith.cmpi ne, %convert_element_type3A_180, %cond3A_181 : i32
      scf.if %cond3A_182 {
        %ge3A = arith.constant 1 : i32
        %ge3A_235 = arith.cmpi sge, %add3A_175, %ge3A : i32
        %convert_element_type3A_236 = arith.extui %ge3A_235 : i1 to i32
        %cond3A_237 = arith.constant 0 : i32
        %cond3A_238 = arith.cmpi ne, %convert_element_type3A_236, %cond3A_237 : i32
        scf.if %cond3A_238 {
          %sub3A = arith.constant 1 : i32
          %sub3A_275 = arith.subi %add3A_175, %sub3A : i32
          %mul3A_276 = arith.constant 256 : i32
          %mul3A_277 = arith.muli %sub3A_275, %mul3A_276 : i32
          %add3A_278 = arith.addi %mul3A_2, %mul3A_277 : i32
          %dma_wait3A_279 = arith.constant 0 : i32
          %dma_wait3A_280 = arith.constant 0 : i32
          %dma_wait3A_281 = arith.constant 0 : i32
          %dma_wait3A_282 = tpu.memref_slice %arg6[%dma_wait3A_279, %dma_wait3A_280, %dma_wait3A_281] : memref<2x256x128xf32, #tpu.memory_space<vmem>> -> memref<1x256x128xf32, #tpu.memory_space<vmem>>
          %dma_wait3A_283 = tpu.memref_squeeze %dma_wait3A_282 : memref<1x256x128xf32, #tpu.memory_space<vmem>> -> memref<256x128xf32, #tpu.memory_space<vmem>>
          %dma_wait3A_284 = arith.constant 0 : i32
          %dma_wait3A_285 = tpu.memref_slice %arg4[%add3A_278, %dma_wait3A_284] : memref<204800x128xf32, #tpu.memory_space<hbm>> -> memref<256x128xf32, #tpu.memory_space<hbm>>
          %dma_wait3A_286 = arith.constant 0 : i32
          %dma_wait3A_287 = tpu.memref_slice %arg4[%add3A_278, %dma_wait3A_286] : memref<204800x128xf32, #tpu.memory_space<hbm>> -> memref<256x128xf32, #tpu.memory_space<hbm>>
          %dma_wait3A_288 = arith.constant 0 : i32
          %dma_wait3A_289 = arith.constant 0 : i32
          %dma_wait3A_290 = tpu.memref_slice %arg6[%dma_wait3A_279, %dma_wait3A_288, %dma_wait3A_289] : memref<2x256x128xf32, #tpu.memory_space<vmem>> -> memref<1x256x128xf32, #tpu.memory_space<vmem>>
          %dma_wait3A_291 = tpu.memref_squeeze %dma_wait3A_290 : memref<1x256x128xf32, #tpu.memory_space<vmem>> -> memref<256x128xf32, #tpu.memory_space<vmem>>
          tpu.wait_dma2 semaphore(%arg9 : memref<!tpu.dma_semaphore, #tpu.memory_space<semaphore_mem>>) src(%dma_wait3A_291 : memref<256x128xf32, #tpu.memory_space<vmem>>) dst(%dma_wait3A_287 : memref<256x128xf32, #tpu.memory_space<hbm>>)
        } else {
        }
        %mul3A_239 = arith.constant 2 : i32
        %mul3A_240 = arith.muli %add3A_177, %mul3A_239 : i32
        %add3A_241 = arith.constant 0 : i32
        %add3A_242 = arith.addi %mul3A_240, %add3A_241 : i32
        %dma_start3A_243 = arith.constant 0 : i32
        %dma_start3A_244 = arith.constant 0 : i32
        %dma_start3A_245 = arith.constant 0 : i32
        %dma_start3A_246 = tpu.memref_slice %arg6[%dma_start3A_243, %dma_start3A_244, %dma_start3A_245] : memref<2x256x128xf32, #tpu.memory_space<vmem>> -> memref<1x256x128xf32, #tpu.memory_space<vmem>>
        %dma_start3A_247 = tpu.memref_squeeze %dma_start3A_246 : memref<1x256x128xf32, #tpu.memory_space<vmem>> -> memref<256x128xf32, #tpu.memory_space<vmem>>
        %dma_start3A_248 = arith.constant 0 : i32
        %dma_start3A_249 = arith.constant 0 : i32
        %dma_start3A_250 = tpu.memref_slice %dma_start3A_247[%dma_start3A_248, %dma_start3A_249] : memref<256x128xf32, #tpu.memory_space<vmem>> -> memref<128x128xf32, #tpu.memory_space<vmem>>
        %dma_start3A_251 = arith.constant 0 : i32
        %dma_start3A_252 = tpu.memref_slice %arg5[%add3A_242, %dma_start3A_251] : memref<50x128xi32, #tpu.memory_space<vmem>> -> memref<1x128xi32, #tpu.memory_space<vmem>>
        %dma_start3A_253 = tpu.memref_squeeze %dma_start3A_252 : memref<1x128xi32, #tpu.memory_space<vmem>> -> memref<128xi32, #tpu.memory_space<vmem>>
        %dma_start3A_254 = arith.constant 0 : i32
        %dma_start3A_255 = arith.constant 0 : i32
        %dma_start3A_256 = tpu.memref_slice %arg3[%dma_start3A_254, %dma_start3A_255] : memref<1000000x128xf32, #tpu.memory_space<hbm>> -> memref<1000000x128xf32, #tpu.memory_space<hbm>>
        tpu.enqueue_indirect_dma source(%dma_start3A_256 : memref<1000000x128xf32, #tpu.memory_space<hbm>>) target(%dma_start3A_250 : memref<128x128xf32, #tpu.memory_space<vmem>>) offsets(%dma_start3A_253 : memref<128xi32, #tpu.memory_space<vmem>>) semaphore(%arg7 : memref<!tpu.dma_semaphore, #tpu.memory_space<semaphore_mem>>)
        %mul3A_257 = arith.constant 2 : i32
        %mul3A_258 = arith.muli %add3A_177, %mul3A_257 : i32
        %add3A_259 = arith.constant 1 : i32
        %add3A_260 = arith.addi %mul3A_258, %add3A_259 : i32
        %dma_start3A_261 = arith.constant 0 : i32
        %dma_start3A_262 = arith.constant 0 : i32
        %dma_start3A_263 = arith.constant 0 : i32
        %dma_start3A_264 = tpu.memref_slice %arg6[%dma_start3A_261, %dma_start3A_262, %dma_start3A_263] : memref<2x256x128xf32, #tpu.memory_space<vmem>> -> memref<1x256x128xf32, #tpu.memory_space<vmem>>
        %dma_start3A_265 = tpu.memref_squeeze %dma_start3A_264 : memref<1x256x128xf32, #tpu.memory_space<vmem>> -> memref<256x128xf32, #tpu.memory_space<vmem>>
        %dma_start3A_266 = arith.constant 128 : i32
        %dma_start3A_267 = arith.constant 0 : i32
        %dma_start3A_268 = tpu.memref_slice %dma_start3A_265[%dma_start3A_266, %dma_start3A_267] : memref<256x128xf32, #tpu.memory_space<vmem>> -> memref<128x128xf32, #tpu.memory_space<vmem>>
        %dma_start3A_269 = arith.constant 0 : i32
        %dma_start3A_270 = tpu.memref_slice %arg5[%add3A_260, %dma_start3A_269] : memref<50x128xi32, #tpu.memory_space<vmem>> -> memref<1x128xi32, #tpu.memory_space<vmem>>
        %dma_start3A_271 = tpu.memref_squeeze %dma_start3A_270 : memref<1x128xi32, #tpu.memory_space<vmem>> -> memref<128xi32, #tpu.memory_space<vmem>>
        %dma_start3A_272 = arith.constant 0 : i32
        %dma_start3A_273 = arith.constant 0 : i32
        %dma_start3A_274 = tpu.memref_slice %arg3[%dma_start3A_272, %dma_start3A_273] : memref<1000000x128xf32, #tpu.memory_space<hbm>> -> memref<1000000x128xf32, #tpu.memory_space<hbm>>
        tpu.enqueue_indirect_dma source(%dma_start3A_274 : memref<1000000x128xf32, #tpu.memory_space<hbm>>) target(%dma_start3A_268 : memref<128x128xf32, #tpu.memory_space<vmem>>) offsets(%dma_start3A_271 : memref<128xi32, #tpu.memory_space<vmem>>) semaphore(%arg7 : memref<!tpu.dma_semaphore, #tpu.memory_space<semaphore_mem>>)
      } else {
      }
      %mul3A_183 = arith.constant 2 : i32
      %mul3A_184 = arith.muli %add3A_175, %mul3A_183 : i32
      %add3A_185 = arith.constant 0 : i32
      %add3A_186 = arith.addi %mul3A_184, %add3A_185 : i32
      %dma_wait3A_187 = arith.constant 1 : i32
      %dma_wait3A_188 = arith.constant 0 : i32
      %dma_wait3A_189 = arith.constant 0 : i32
      %dma_wait3A_190 = tpu.memref_slice %arg6[%dma_wait3A_187, %dma_wait3A_188, %dma_wait3A_189] : memref<2x256x128xf32, #tpu.memory_space<vmem>> -> memref<1x256x128xf32, #tpu.memory_space<vmem>>
      %dma_wait3A_191 = tpu.memref_squeeze %dma_wait3A_190 : memref<1x256x128xf32, #tpu.memory_space<vmem>> -> memref<256x128xf32, #tpu.memory_space<vmem>>
      %dma_wait3A_192 = arith.constant 0 : i32
      %dma_wait3A_193 = arith.constant 0 : i32
      %dma_wait3A_194 = tpu.memref_slice %dma_wait3A_191[%dma_wait3A_192, %dma_wait3A_193] : memref<256x128xf32, #tpu.memory_space<vmem>> -> memref<128x128xf32, #tpu.memory_space<vmem>>
      %dma_wait3A_195 = arith.constant 0 : i32
      %dma_wait3A_196 = tpu.memref_slice %arg5[%add3A_186, %dma_wait3A_195] : memref<50x128xi32, #tpu.memory_space<vmem>> -> memref<1x128xi32, #tpu.memory_space<vmem>>
      %dma_wait3A_197 = tpu.memref_squeeze %dma_wait3A_196 : memref<1x128xi32, #tpu.memory_space<vmem>> -> memref<128xi32, #tpu.memory_space<vmem>>
      %dma_wait3A_198 = arith.constant 0 : i32
      %dma_wait3A_199 = arith.constant 0 : i32
      %dma_wait3A_200 = tpu.memref_slice %arg3[%dma_wait3A_198, %dma_wait3A_199] : memref<1000000x128xf32, #tpu.memory_space<hbm>> -> memref<1000000x128xf32, #tpu.memory_space<hbm>>
      tpu.wait_indirect_dma semaphore(%arg8 : memref<!tpu.dma_semaphore, #tpu.memory_space<semaphore_mem>>) src(%dma_wait3A_200 : memref<1000000x128xf32, #tpu.memory_space<hbm>>) dst(%dma_wait3A_194 : memref<128x128xf32, #tpu.memory_space<vmem>>)
      %mul3A_201 = arith.constant 2 : i32
      %mul3A_202 = arith.muli %add3A_175, %mul3A_201 : i32
      %add3A_203 = arith.constant 1 : i32
      %add3A_204 = arith.addi %mul3A_202, %add3A_203 : i32
      %dma_wait3A_205 = arith.constant 1 : i32
      %dma_wait3A_206 = arith.constant 0 : i32
      %dma_wait3A_207 = arith.constant 0 : i32
      %dma_wait3A_208 = tpu.memref_slice %arg6[%dma_wait3A_205, %dma_wait3A_206, %dma_wait3A_207] : memref<2x256x128xf32, #tpu.memory_space<vmem>> -> memref<1x256x128xf32, #tpu.memory_space<vmem>>
      %dma_wait3A_209 = tpu.memref_squeeze %dma_wait3A_208 : memref<1x256x128xf32, #tpu.memory_space<vmem>> -> memref<256x128xf32, #tpu.memory_space<vmem>>
      %dma_wait3A_210 = arith.constant 128 : i32
      %dma_wait3A_211 = arith.constant 0 : i32
      %dma_wait3A_212 = tpu.memref_slice %dma_wait3A_209[%dma_wait3A_210, %dma_wait3A_211] : memref<256x128xf32, #tpu.memory_space<vmem>> -> memref<128x128xf32, #tpu.memory_space<vmem>>
      %dma_wait3A_213 = arith.constant 0 : i32
      %dma_wait3A_214 = tpu.memref_slice %arg5[%add3A_204, %dma_wait3A_213] : memref<50x128xi32, #tpu.memory_space<vmem>> -> memref<1x128xi32, #tpu.memory_space<vmem>>
      %dma_wait3A_215 = tpu.memref_squeeze %dma_wait3A_214 : memref<1x128xi32, #tpu.memory_space<vmem>> -> memref<128xi32, #tpu.memory_space<vmem>>
      %dma_wait3A_216 = arith.constant 0 : i32
      %dma_wait3A_217 = arith.constant 0 : i32
      %dma_wait3A_218 = tpu.memref_slice %arg3[%dma_wait3A_216, %dma_wait3A_217] : memref<1000000x128xf32, #tpu.memory_space<hbm>> -> memref<1000000x128xf32, #tpu.memory_space<hbm>>
      tpu.wait_indirect_dma semaphore(%arg8 : memref<!tpu.dma_semaphore, #tpu.memory_space<semaphore_mem>>) src(%dma_wait3A_218 : memref<1000000x128xf32, #tpu.memory_space<hbm>>) dst(%dma_wait3A_212 : memref<128x128xf32, #tpu.memory_space<vmem>>)
      %mul3A_219 = arith.constant 256 : i32
      %mul3A_220 = arith.muli %add3A_175, %mul3A_219 : i32
      %add3A_221 = arith.addi %mul3A_2, %mul3A_220 : i32
      %dma_start3A_222 = arith.constant 1 : i32
      %dma_start3A_223 = arith.constant 0 : i32
      %dma_start3A_224 = arith.constant 0 : i32
      %dma_start3A_225 = tpu.memref_slice %arg6[%dma_start3A_222, %dma_start3A_223, %dma_start3A_224] : memref<2x256x128xf32, #tpu.memory_space<vmem>> -> memref<1x256x128xf32, #tpu.memory_space<vmem>>
      %dma_start3A_226 = tpu.memref_squeeze %dma_start3A_225 : memref<1x256x128xf32, #tpu.memory_space<vmem>> -> memref<256x128xf32, #tpu.memory_space<vmem>>
      %dma_start3A_227 = arith.constant 0 : i32
      %dma_start3A_228 = tpu.memref_slice %arg4[%add3A_221, %dma_start3A_227] : memref<204800x128xf32, #tpu.memory_space<hbm>> -> memref<256x128xf32, #tpu.memory_space<hbm>>
      %dma_start3A_229 = arith.constant 0 : i32
      %dma_start3A_230 = tpu.memref_slice %arg4[%add3A_221, %dma_start3A_229] : memref<204800x128xf32, #tpu.memory_space<hbm>> -> memref<256x128xf32, #tpu.memory_space<hbm>>
      %dma_start3A_231 = arith.constant 0 : i32
      %dma_start3A_232 = arith.constant 0 : i32
      %dma_start3A_233 = tpu.memref_slice %arg6[%dma_start3A_222, %dma_start3A_231, %dma_start3A_232] : memref<2x256x128xf32, #tpu.memory_space<vmem>> -> memref<1x256x128xf32, #tpu.memory_space<vmem>>
      %dma_start3A_234 = tpu.memref_squeeze %dma_start3A_233 : memref<1x256x128xf32, #tpu.memory_space<vmem>> -> memref<256x128xf32, #tpu.memory_space<vmem>>
      tpu.enqueue_dma source(%dma_start3A_234 : memref<256x128xf32, #tpu.memory_space<vmem>>) target(%dma_start3A_230 : memref<256x128xf32, #tpu.memory_space<hbm>>) target_semaphore(%arg10 : memref<!tpu.dma_semaphore, #tpu.memory_space<semaphore_mem>>)
    }
    %scan3A_36 = arith.constant 12 : i32
    %dma_wait3A = arith.constant 48 : i32
    %dma_wait3A_37 = arith.constant 0 : i32
    %dma_wait3A_38 = arith.constant 0 : i32
    %dma_wait3A_39 = arith.constant 0 : i32
    %dma_wait3A_40 = tpu.memref_slice %arg6[%dma_wait3A_37, %dma_wait3A_38, %dma_wait3A_39] : memref<2x256x128xf32, #tpu.memory_space<vmem>> -> memref<1x256x128xf32, #tpu.memory_space<vmem>>
    %dma_wait3A_41 = tpu.memref_squeeze %dma_wait3A_40 : memref<1x256x128xf32, #tpu.memory_space<vmem>> -> memref<256x128xf32, #tpu.memory_space<vmem>>
    %dma_wait3A_42 = arith.constant 0 : i32
    %dma_wait3A_43 = arith.constant 0 : i32
    %dma_wait3A_44 = tpu.memref_slice %dma_wait3A_41[%dma_wait3A_42, %dma_wait3A_43] : memref<256x128xf32, #tpu.memory_space<vmem>> -> memref<128x128xf32, #tpu.memory_space<vmem>>
    %dma_wait3A_45 = arith.constant 0 : i32
    %dma_wait3A_46 = tpu.memref_slice %arg5[%dma_wait3A, %dma_wait3A_45] : memref<50x128xi32, #tpu.memory_space<vmem>> -> memref<1x128xi32, #tpu.memory_space<vmem>>
    %dma_wait3A_47 = tpu.memref_squeeze %dma_wait3A_46 : memref<1x128xi32, #tpu.memory_space<vmem>> -> memref<128xi32, #tpu.memory_space<vmem>>
    %dma_wait3A_48 = arith.constant 0 : i32
    %dma_wait3A_49 = arith.constant 0 : i32
    %dma_wait3A_50 = tpu.memref_slice %arg3[%dma_wait3A_48, %dma_wait3A_49] : memref<1000000x128xf32, #tpu.memory_space<hbm>> -> memref<1000000x128xf32, #tpu.memory_space<hbm>>
    tpu.wait_indirect_dma semaphore(%arg7 : memref<!tpu.dma_semaphore, #tpu.memory_space<semaphore_mem>>) src(%dma_wait3A_50 : memref<1000000x128xf32, #tpu.memory_space<hbm>>) dst(%dma_wait3A_44 : memref<128x128xf32, #tpu.memory_space<vmem>>)
    %dma_wait3A_51 = arith.constant 49 : i32
    %dma_wait3A_52 = arith.constant 0 : i32
    %dma_wait3A_53 = arith.constant 0 : i32
    %dma_wait3A_54 = arith.constant 0 : i32
    %dma_wait3A_55 = tpu.memref_slice %arg6[%dma_wait3A_52, %dma_wait3A_53, %dma_wait3A_54] : memref<2x256x128xf32, #tpu.memory_space<vmem>> -> memref<1x256x128xf32, #tpu.memory_space<vmem>>
    %dma_wait3A_56 = tpu.memref_squeeze %dma_wait3A_55 : memref<1x256x128xf32, #tpu.memory_space<vmem>> -> memref<256x128xf32, #tpu.memory_space<vmem>>
    %dma_wait3A_57 = arith.constant 128 : i32
    %dma_wait3A_58 = arith.constant 0 : i32
    %dma_wait3A_59 = tpu.memref_slice %dma_wait3A_56[%dma_wait3A_57, %dma_wait3A_58] : memref<256x128xf32, #tpu.memory_space<vmem>> -> memref<128x128xf32, #tpu.memory_space<vmem>>
    %dma_wait3A_60 = arith.constant 0 : i32
    %dma_wait3A_61 = tpu.memref_slice %arg5[%dma_wait3A_51, %dma_wait3A_60] : memref<50x128xi32, #tpu.memory_space<vmem>> -> memref<1x128xi32, #tpu.memory_space<vmem>>
    %dma_wait3A_62 = tpu.memref_squeeze %dma_wait3A_61 : memref<1x128xi32, #tpu.memory_space<vmem>> -> memref<128xi32, #tpu.memory_space<vmem>>
    %dma_wait3A_63 = arith.constant 0 : i32
    %dma_wait3A_64 = arith.constant 0 : i32
    %dma_wait3A_65 = tpu.memref_slice %arg3[%dma_wait3A_63, %dma_wait3A_64] : memref<1000000x128xf32, #tpu.memory_space<hbm>> -> memref<1000000x128xf32, #tpu.memory_space<hbm>>
    tpu.wait_indirect_dma semaphore(%arg7 : memref<!tpu.dma_semaphore, #tpu.memory_space<semaphore_mem>>) src(%dma_wait3A_65 : memref<1000000x128xf32, #tpu.memory_space<hbm>>) dst(%dma_wait3A_59 : memref<128x128xf32, #tpu.memory_space<vmem>>)
    %add3A_66 = arith.constant 6144 : i32
    %add3A_67 = arith.addi %mul3A_2, %add3A_66 : i32
    %dma_start3A_68 = arith.constant 0 : i32
    %dma_start3A_69 = arith.constant 0 : i32
    %dma_start3A_70 = arith.constant 0 : i32
    %dma_start3A_71 = tpu.memref_slice %arg6[%dma_start3A_68, %dma_start3A_69, %dma_start3A_70] : memref<2x256x128xf32, #tpu.memory_space<vmem>> -> memref<1x256x128xf32, #tpu.memory_space<vmem>>
    %dma_start3A_72 = tpu.memref_squeeze %dma_start3A_71 : memref<1x256x128xf32, #tpu.memory_space<vmem>> -> memref<256x128xf32, #tpu.memory_space<vmem>>
    %dma_start3A_73 = arith.constant 0 : i32
    %dma_start3A_74 = tpu.memref_slice %arg4[%add3A_67, %dma_start3A_73] : memref<204800x128xf32, #tpu.memory_space<hbm>> -> memref<256x128xf32, #tpu.memory_space<hbm>>
    %dma_start3A_75 = arith.constant 0 : i32
    %dma_start3A_76 = tpu.memref_slice %arg4[%add3A_67, %dma_start3A_75] : memref<204800x128xf32, #tpu.memory_space<hbm>> -> memref<256x128xf32, #tpu.memory_space<hbm>>
    %dma_start3A_77 = arith.constant 0 : i32
    %dma_start3A_78 = arith.constant 0 : i32
    %dma_start3A_79 = tpu.memref_slice %arg6[%dma_start3A_68, %dma_start3A_77, %dma_start3A_78] : memref<2x256x128xf32, #tpu.memory_space<vmem>> -> memref<1x256x128xf32, #tpu.memory_space<vmem>>
    %dma_start3A_80 = tpu.memref_squeeze %dma_start3A_79 : memref<1x256x128xf32, #tpu.memory_space<vmem>> -> memref<256x128xf32, #tpu.memory_space<vmem>>
    tpu.enqueue_dma source(%dma_start3A_80 : memref<256x128xf32, #tpu.memory_space<vmem>>) target(%dma_start3A_76 : memref<256x128xf32, #tpu.memory_space<hbm>>) target_semaphore(%arg9 : memref<!tpu.dma_semaphore, #tpu.memory_space<semaphore_mem>>)
    %add3A_81 = arith.constant 5888 : i32
    %add3A_82 = arith.addi %mul3A_2, %add3A_81 : i32
    %dma_wait3A_83 = arith.constant 1 : i32
    %dma_wait3A_84 = arith.constant 0 : i32
    %dma_wait3A_85 = arith.constant 0 : i32
    %dma_wait3A_86 = tpu.memref_slice %arg6[%dma_wait3A_83, %dma_wait3A_84, %dma_wait3A_85] : memref<2x256x128xf32, #tpu.memory_space<vmem>> -> memref<1x256x128xf32, #tpu.memory_space<vmem>>
    %dma_wait3A_87 = tpu.memref_squeeze %dma_wait3A_86 : memref<1x256x128xf32, #tpu.memory_space<vmem>> -> memref<256x128xf32, #tpu.memory_space<vmem>>
    %dma_wait3A_88 = arith.constant 0 : i32
    %dma_wait3A_89 = tpu.memref_slice %arg4[%add3A_82, %dma_wait3A_88] : memref<204800x128xf32, #tpu.memory_space<hbm>> -> memref<256x128xf32, #tpu.memory_space<hbm>>
    %dma_wait3A_90 = arith.constant 0 : i32
    %dma_wait3A_91 = tpu.memref_slice %arg4[%add3A_82, %dma_wait3A_90] : memref<204800x128xf32, #tpu.memory_space<hbm>> -> memref<256x128xf32, #tpu.memory_space<hbm>>
    %dma_wait3A_92 = arith.constant 0 : i32
    %dma_wait3A_93 = arith.constant 0 : i32
    %dma_wait3A_94 = tpu.memref_slice %arg6[%dma_wait3A_83, %dma_wait3A_92, %dma_wait3A_93] : memref<2x256x128xf32, #tpu.memory_space<vmem>> -> memref<1x256x128xf32, #tpu.memory_space<vmem>>
    %dma_wait3A_95 = tpu.memref_squeeze %dma_wait3A_94 : memref<1x256x128xf32, #tpu.memory_space<vmem>> -> memref<256x128xf32, #tpu.memory_space<vmem>>
    tpu.wait_dma2 semaphore(%arg10 : memref<!tpu.dma_semaphore, #tpu.memory_space<semaphore_mem>>) src(%dma_wait3A_95 : memref<256x128xf32, #tpu.memory_space<vmem>>) dst(%dma_wait3A_91 : memref<256x128xf32, #tpu.memory_space<hbm>>)
    %add3A_96 = arith.constant 6144 : i32
    %add3A_97 = arith.addi %mul3A_2, %add3A_96 : i32
    %dma_wait3A_98 = arith.constant 0 : i32
    %dma_wait3A_99 = arith.constant 0 : i32
    %dma_wait3A_100 = arith.constant 0 : i32
    %dma_wait3A_101 = tpu.memref_slice %arg6[%dma_wait3A_98, %dma_wait3A_99, %dma_wait3A_100] : memref<2x256x128xf32, #tpu.memory_space<vmem>> -> memref<1x256x128xf32, #tpu.memory_space<vmem>>
    %dma_wait3A_102 = tpu.memref_squeeze %dma_wait3A_101 : memref<1x256x128xf32, #tpu.memory_space<vmem>> -> memref<256x128xf32, #tpu.memory_space<vmem>>
    %dma_wait3A_103 = arith.constant 0 : i32
    %dma_wait3A_104 = tpu.memref_slice %arg4[%add3A_97, %dma_wait3A_103] : memref<204800x128xf32, #tpu.memory_space<hbm>> -> memref<256x128xf32, #tpu.memory_space<hbm>>
    %dma_wait3A_105 = arith.constant 0 : i32
    %dma_wait3A_106 = tpu.memref_slice %arg4[%add3A_97, %dma_wait3A_105] : memref<204800x128xf32, #tpu.memory_space<hbm>> -> memref<256x128xf32, #tpu.memory_space<hbm>>
    %dma_wait3A_107 = arith.constant 0 : i32
    %dma_wait3A_108 = arith.constant 0 : i32
    %dma_wait3A_109 = tpu.memref_slice %arg6[%dma_wait3A_98, %dma_wait3A_107, %dma_wait3A_108] : memref<2x256x128xf32, #tpu.memory_space<vmem>> -> memref<1x256x128xf32, #tpu.memory_space<vmem>>
    %dma_wait3A_110 = tpu.memref_squeeze %dma_wait3A_109 : memref<1x256x128xf32, #tpu.memory_space<vmem>> -> memref<256x128xf32, #tpu.memory_space<vmem>>
    tpu.wait_dma2 semaphore(%arg9 : memref<!tpu.dma_semaphore, #tpu.memory_space<semaphore_mem>>) src(%dma_wait3A_110 : memref<256x128xf32, #tpu.memory_space<vmem>>) dst(%dma_wait3A_106 : memref<256x128xf32, #tpu.memory_space<hbm>>)
    return
  }
}

</mosaic_0001>

<sc_bundles>
// kernel: _gather_sc.3.cloned.1.call-start
scs
__scs_entry_jumppad:
0x0: {  	(pc) =	sbr.rel $0x88, $3  }
0x1: {  	(tag) =	ssettag $0x0;
	lr =	simm.s32 $0x1  }
0x2: {  	[smem:$0x3F9F] =	sst lr;
	_ =	strace $0xD0000000  }
0x3: {  	_ = 	snop  }
0x4: {  	_ = 	snop  }
0x5: {  	_ = 	snop  }
0x6: {  	_ = 	snop  }
0x7: {  	_ = 	snop  }
__scs_overlays_trampoline_lowered:
0x8: {  	[smem:$0x3FAE] =	sst s0  }
0x9: {  	[smem:$0x3FAF] =	sst s1  }
0xa: {  	[smem:$0x3FB0] =	sst s2  }
0xb: {  	[smem:$0x3FB1] =	sst s3  }
0xc: {  	[smem:$0x3FB2] =	sst s4  }
0xd: {  	[smem:$0x3FB3] =	sst s5  }
0xe: {  	[smem:$0x3FB4] =	sst s6  }
0xf: {  	[smem:$0x3FB5] =	sst s7  }
0x10: {  	[smem:$0x3FB6] =	sst s8  }
0x11: {  	[smem:$0x3FB7] =	sst s9;
	s0 =	simm.s32 @!p0 $0x0  }
0x12: {  	s1 =	sld [smem:$0x3F9D];
	s0 =	simm.s32 @p0 $0x1  }
0x13: {  	[smem:$0x3FB8] =	sst s0;
	s0 =	simm.s32 @!p1 $0x0  }
0x14: {  	s2 =	sld [smem:$0x3F9C];
	s0 =	simm.s32 @p1 $0x1  }
0x15: {  	[smem:$0x3FB9] =	sst s0;
	s0 =	simm.s32 @!p2 $0x0  }
0x16: {  	s3 =	sld [smem:$0x3FDB];
	s0 =	simm.s32 @p2 $0x1  }
0x17: {  	s4 =	simm.s32 $0x1BF5;
	[smem:$0x3FBB] =	sst s0  }
0x18: {  	s0 =	sld [smem:$0x3F9E];
	_ =	swait.ge [sflag:s4], $0x0  }
0x19: {  	s7 =	sld [smem:$0x3F9F]  }
0x1a: {  	s8 =	sadd.s32 $0xFFFFE003, lr  }
0x1b: {  	s9 =	sadd.s32 $0xFFFFFEF7, lr;
	s5 =	simm.s32 $0xFFFFFFFF;
	p2 =	slt.u32 s8, $0xFFFFF086  }
0x1c: {  	p1 =	slt.u32 s9, $0xF7A;
	s5 =	simm.s32 @!p2 $0x0  }
0x1d: {  	s5 =	simm.s32 @p1 $0x1;
	p0 =	seq.s32 s7, s2  }
0x1e: {  	s7 =	smul.u32 @!p0 $0xF7A, s2;
	p2 =	seq.s32 @!p0 s5, $0x0  }
0x1f: {  	s9 =	smul.u32 $0xF7A, s1;
	s8 =	simm.s32 @!p0 $0x1BF5;
	p2 =	por !p2, p0  }
0x20: {  	[sflag:s8] =	ssyncset.s32 @!p0 $0xFFFFF086;
	s6 =	sadd.s32 @!p0 s3, s7;
	s7 =	simm.s32 @!p0 $0x108  }
0x21: {  	s3 =	sadd.s32 s3, s9;
	s6 =	sadd.s32 @!p0 $0x88, s6;
	s7 =	simm.s32 @p2 $0x1082  }
0x22: {  	[simem:s7], [sflag:s8] =	dma.local @!p0 [hbm:s6], $0xF7A  }
0x23: {  	s9 =	sor.u32 $0xD0000000, s2;
	s6 =	simm.s32 $0x108;
	_ =	swait.ge @!p0 [sflag:s8], $0x0  }
0x24: {  	s3 =	sadd.s32 $0x88, s3;
	s6 =	simm.s32 @!p1 $0x1082;
	[sflag:s4] =	ssyncset.s32 $0xFFFFF086  }
0x25: {  	[simem:s6], [sflag:s4] =	dma.local [hbm:s3], $0xF7A  }
0x26: {  	[smem:$0x3F9F] =	sst s1;
	(tag) =	ssettag s2;
	_ =	strace s9  }
0x27: {  	s1 =	sld [smem:$0x3FAF]  }
0x28: {  	s2 =	sld [smem:$0x3FB0]  }
0x29: {  	s4 =	sld [smem:$0x3FB2]  }
0x2a: {  	p0 =	seq.s32 s5, $0x0;
	s5 =	sld [smem:$0x3FB3]  }
0x2b: {  	s6 =	sld [smem:$0x3FB4]  }
0x2c: {  	s7 =	sld [smem:$0x3FB5]  }
0x2d: {  	s3 =	simm.s32 $0x108;
	s8 =	sld [smem:$0x3FB6]  }
0x2e: {  	s3 =	simm.s32 @!p0 $0x1082;
	s9 =	sld [smem:$0x3FB7]  }
0x2f: {  	lr =	sadd.s32 s0, s3;
	s0 =	sld [smem:$0x3FAE]  }
0x30: {  	s3 =	sld [smem:$0x3FB1]  }
0x31: {  	[smem:$0x3FBA] =	sst s10  }
0x32: {  	s10 =	sld [smem:$0x3FB8];
	_ =	sdelay $0x3  }
0x33: {  	p0 =	seq.s32 s10, $0x1;
	s10 =	sld [smem:$0x3FBA];
	_ =	sdelay $0x3  }
0x34: {  	[smem:$0x3FBA] =	sst s10  }
0x35: {  	s10 =	sld [smem:$0x3FB9];
	_ =	sdelay $0x3  }
0x36: {  	p1 =	seq.s32 s10, $0x1;
	s10 =	sld [smem:$0x3FBA];
	_ =	sdelay $0x3  }
0x37: {  	[smem:$0x3FBA] =	sst s10  }
0x38: {  	s10 =	sld [smem:$0x3FBB]  }
0x39: {  	_ = 	snop;
	(pc) =	sbr.ind lr, $3  }
0x3a: {  	_ = 	snop  }
0x3b: {  	_ = 	snop  }
0x3c: {  	p2 =	seq.s32 s10, $0x1;
	s10 =	sld [smem:$0x3FBA]  }
0x3d: {  	_ =	shalt  }
0x3e: {  	_ =	shalt  }
0x3f: {  	_ =	shalt  }
0x40: {  	_ =	shalt  }
0x41: {  	_ =	shalt  }
0x42: {  	_ =	shalt  }
0x43: {  	_ =	shalt  }
0x44: {  	_ =	shalt  }
0x45: {  	_ =	shalt  }
0x46: {  	_ =	shalt  }
0x47: {  	_ =	shalt  }
0x48: {  	_ =	shalt  }
0x49: {  	_ =	shalt  }
0x4a: {  	_ =	shalt  }
0x4b: {  	_ =	shalt  }
0x4c: {  	_ =	shalt  }
0x4d: {  	_ =	shalt  }
0x4e: {  	_ =	shalt  }
0x4f: {  	_ =	shalt  }
0x50: {  	_ =	shalt  }
0x51: {  	_ =	shalt  }
0x52: {  	_ =	shalt  }
0x53: {  	_ =	shalt  }
0x54: {  	_ =	shalt  }
0x55: {  	_ =	shalt  }
0x56: {  	_ =	shalt  }
0x57: {  	_ =	shalt  }
0x58: {  	_ =	shalt  }
0x59: {  	_ =	shalt  }
0x5a: {  	_ =	shalt  }
0x5b: {  	_ =	shalt  }
0x5c: {  	_ =	shalt  }
0x5d: {  	_ =	shalt  }
0x5e: {  	_ =	shalt  }
0x5f: {  	_ =	shalt  }
0x60: {  	_ =	shalt  }
0x61: {  	_ =	shalt  }
0x62: {  	_ =	shalt  }
0x63: {  	_ =	shalt  }
0x64: {  	_ =	shalt  }
0x65: {  	_ =	shalt  }
0x66: {  	_ =	shalt  }
0x67: {  	_ =	shalt  }
0x68: {  	_ =	shalt  }
0x69: {  	_ =	shalt  }
0x6a: {  	_ =	shalt  }
0x6b: {  	_ =	shalt  }
0x6c: {  	_ =	shalt  }
0x6d: {  	_ =	shalt  }
0x6e: {  	_ =	shalt  }
0x6f: {  	_ =	shalt  }
0x70: {  	_ =	shalt  }
0x71: {  	_ =	shalt  }
0x72: {  	_ =	shalt  }
0x73: {  	_ =	shalt  }
0x74: {  	_ =	shalt  }
0x75: {  	_ =	shalt  }
0x76: {  	_ =	shalt  }
0x77: {  	_ =	shalt  }
0x78: {  	_ =	shalt  }
0x79: {  	_ =	shalt  }
0x7a: {  	_ =	shalt  }
0x7b: {  	_ =	shalt  }
0x7c: {  	_ =	shalt  }
0x7d: {  	_ =	shalt  }
0x7e: {  	_ =	shalt  }
0x7f: {  	_ =	shalt  }
0x80: {  	_ =	shalt  }
0x81: {  	_ =	shalt  }
0x82: {  	_ =	shalt  }
0x83: {  	_ =	shalt  }
0x84: {  	_ =	shalt  }
0x85: {  	_ =	shalt  }
0x86: {  	_ =	shalt  }
0x87: {  	_ =	shalt  }
.Lfunc_end0:
.L_simem_size_0:
called_computation_lowered:
.L_overlay_start_0:
0x88: {  	s2 =	sld [smem:$0x3FD9]  }
0x89: {  	s3 =	sld [smem:$0x3FFE];
	_ =	sdelay $0x1  }
0x8a: {  	s1 =	srdreg.scid  }
0x8b: {  	s0 =	sand.u32 $0x1, s1  }
0x8c: {  	s17 =	sshll.u32 s0, $0xA;
	s2 =	sadd.s32 s3, s2  }
0x8d: {  	s2 =	sadd.s32 s2, s17  }
0x8e: {  	[smem:$0x3FC6] =	sst s2  }
0x8f: {  	_ = 	snop  }
0x90: {  	s2 =	sld [smem:$0x3FC8]  }
0x91: {  	s18 =	sld [smem:$0x3FD0];
	(tm) =	ssettm $0x1  }
0x92: {  	s4 =	sld [smem:$0x3FFB];
	_ =	sdelay $0x3  }
0x93: {  	_ =	strace s4  }
0x94: {  	s4 =	sld [smem:$0x3FFC];
	_ =	sdelay $0x3  }
0x95: {  	_ =	strace s4  }
0x96: {  	s4 =	sld [smem:$0x3FFD];
	_ =	sdelay $0x3  }
0x97: {  	_ =	strace s4  }
0x98: {  	_ =	strace $0x8FFFFFFF  }
0x99: {  	s19 =	sld [smem:$0x3FDB];
	_ =	sdelay $0x1  }
0x9a: {  	s5 =	simm.s32 $_scs_section_size  }
0x9b: {  	s6 =	simm.s32 $_size__tile_overlayer_lowered;
	s7 =	simm.s32 $_tile_overlayer_lowered  }
0x9c: {  	s22 =	simm.s32 $0x1BFF;
	s21 =	sshll.u32 s7, $0x1;
	s4 =	sadd.s32 s5, s19  }
0x9d: {  	s8 =	simm.s32 $0x0;
	s20 =	sshll.u32 s6, $0x1;
	s6 =	sadd.s32 s21, s4  }
0x9e: {  	[timem:s8], [sflag:s22] =	dma.local [hbm:s6], s20  }
0x9f: {  	_ =	swait.ge [sflag:s22], s20  }
0xa0: {  	s5 =	ssub.s32 $0x0, s20;
	[sflag:s22] =	ssyncset.done $0x0  }
0xa1: {  	[sflag:s22] =	ssyncadd.s32 s5;
	_ =	sdelay $0x1  }
0xa2: {  	s23 =	simm.s32 $0x1B8B  }
0xa3: {  	_ =	swait.ge [sflag:s23], $0x1  }
0xa4: {  	[sflag:s23] =	ssyncset.done $0x0  }
0xa5: {  	s25 =	simm.s32 $0x1B8E;
	s24 =	sld [smem:$0x3FFE];
	[sflag:s23] =	ssyncadd.s32 $0xFFFFFFFF  }
0xa6: {  	s26 =	simm.s32 $execute0_lowered;
	[smem:$0x3FD2] =	sst s25  }
0xa7: {  	s6 =	sshll.u32 s26, $0x1;
	_ =	strace $0x80000046;
	[dreg:$0x1] =	wrdreg $0xFFFFFFFF  }
0xa8: {  	s28 =	simm.s32 $_size_execute0_lowered;
	s4 =	sadd.s32 s4, s6;
	[dreg:$0x0] =	wrdreg $0x0  }
0xa9: {  	s6 =	sshll.u32 s28, $0x1;
	[dreg:$0x2] =	wrdreg s4  }
0xaa: {  	[dreg:$0x3] =	wrdreg s6  }
0xab: {  	[dreg:$0x4] =	wrdreg $0xC0  }
0xac: {  	_ =	task [dreg:s8], $0x5FFFF  }
0xad: {  	[dreg:$0x1] =	wrdreg $0xFFFFFFFF  }
0xae: {  	[dreg:$0x0] =	wrdreg $0x60  }
0xaf: {  	[dreg:$0x2] =	wrdreg s24  }
0xb0: {  	[dreg:$0x3] =	wrdreg s2  }
0xb1: {  	[dreg:$0x4] =	wrdreg s18  }
0xb2: {  	[dreg:$0x5] =	wrdreg $0x9  }
0xb3: {  	_ =	task.clear_ibuf [dreg:s8], $0x6FFFF;
	_ =	strace $0x90000046  }
0xb4: {  	s29 =	simm.s32 $0x9;
	_ =	strace $0x80000048  }
0xb5: {  	_ =	swait.ge [sflag:s29], $0x1  }
0xb6: {  	[sflag:s29] =	ssyncadd.s32 $0xFFFFFFFF  }
0xb7: {  	_ =	strace $0x90000048  }
0xb8: {  	_ =	sfence  }
0xb9: {  	s30 =	sld [smem:$0x0];
	_ =	sdelay $0x2  }
0xba: {  	s31 =	sshll.u32 s1, $0xD;
	s1 =	sshrl.u32 s1, $0x2  }
0xbb: {  	s3 =	sand.u32 $0x4000, s31;
	s1 =	sadd.s32 s1, s30  }
0xbc: {  	s0 =	sor.u32 s3, s0;
	s1 =	sshll.u32 s1, $0x11  }
0xbd: {  	s0 =	sor.u32 s1, s0  }
0xbe: {  	s0 =	sadd.s32 $0x8F2B, s0  }
0xbf: {  	[sflag:s0] =	ssyncadd.remote.s32 $0x1  }
0xc0: {  	_ =	sfence.sel $0xFFFF  }
0xc1: {  	[dreg:$0x0] =	wrdreg $0xFFFFFFFF;
	(pc) =	sbr.abs _section_cstart, $3  }
0xc2: {  	[dreg:$0x1] =	wrdreg $0xFFFFFFFF  }
0xc3: {  	_ =	task.clear_ibuf [dreg:s8], $0x2FFFF;
	_ =	strace $0x9FFFFFFF  }
0xc4: {  	(tm) =	ssettm $0x7FFFFFFF  }
0xc5: {  	_ =	shalt  }
tec
execute0_lowered:
.L_overlay_start_1:
0x0: {  	(tag) =	ssettag $0x1  }
0x1: {  	s6 =	rddreg [dreg:$0x0]  }
0x2: {  	s1 =	srdreg.scid;
	s2 =	rddreg [dreg:$0x1]  }
0x3: {  	s0 =	stileid.u32;
	s3 =	rddreg [dreg:$0x2];
	s4 =	simm.s32 $0x0  }
0x4: {  	s13 =	simm.s32 $0x80;
	s14 =	simm.s32 $0x1C00;
	s15 =	simm.s32 $0x5C00  }
0x5: {  	s16 =	simm.s32 $0x100;
	s17 =	simm.s32 $0x9C00;
	s18 =	simm.s32 $0x180  }
0x6: {  	s19 =	simm.s32 $0xDC00;
	s20 =	simm.s32 $0x1;
	s21 =	simm.s32 $0x3  }
0x7: {  	s22 =	simm.s32 $0x200;
	s23 =	simm.s32 $0x280;
	s24 =	simm.s32 $0x2  }
0x8: {  	s5 =	sand.u32 $0x1, s1;
	s29 =	sshll.u32 s0, $0x1;
	s9 =	smul.u32 $0x190000, s0  }
0x9: {  	s1 =	sor.u32 s5, s29;
	s10 =	ssub.s32 $0x2, s5;
	s5 =	smul.u32 $0xC8000, s5  }
0xa: {  	s25 =	simm.s32 $0x4;
	s26 =	simm.s32 $0x0;
	s7 =	smul.u32 $0x380, s1  }
0xb: {  	[smem:$0x7FF] =	sst s4;
	s8 =	smul.u32 $0xC8000, s1;
	s30 =	sshrl.u32 s10, $0x1  }
0xc: {  	_ =	strace $0x80000047;
	s10 =	ssub.s32 s10, s30;
	s11 =	sadd.s32 s5, s9  }
0xd: {  	s6 =	sadd.s32 s7, s6;
	s31 =	sshrl.u32 s8, $0x3;
	s9 =	sadd.s32 $0x18000, s11  }
0xe: {  	s8 =	smax.u32 s10, $0x1;
	s5 =	sadd.s32 $0x400, s6;
	s6 =	sadd.s32 s3, s31  }
0xf: {  	s10 =	sadd.s32 $0x10000, s11;
	s12 =	sshrl.u32 s9, $0x3;
	s7 =	sadd.s32 $0x18000, s6  }
0x10: {  	s9 =	sadd.s32 $0x1000, s6;
	s11 =	sadd.s32 s12, s3;
	s12 =	simm.s32 $0x5  }
.LBB2_1:
0x11: {  	[tilespmem:s4], [sflag:$0x5] =	stream.linear.gather [hbm4b:s5+s4], $0x1900, $0x38;
	[tilespmem:$0x11C00] =	vst v63  }
0x12: {  	_ =	swait.ge [sflag:s12], $0x1900  }
0x13: {  	[sflag:s12] =	ssyncset.done $0x0  }
0x14: {  	[sflag:s12] =	ssyncadd.s32 $0xFFFFE700  }
0x15: {  	[tilespmem:s14], [sflag:$0x1] =	stream.indirect.gather [hbm4b:s2+s13], $0x80, s4, s13, $0xb8;
	[tilespmem:$0x11C00] =	vst v63  }
0x16: {  	_ = 	snop  }
0x17: {  	[tilespmem:s15], [sflag:$0x1] =	stream.indirect.gather [hbm4b:s2+s13], $0x80, s13, s13, $0xb8;
	[tilespmem:$0x11C00] =	vst v63  }
0x18: {  	_ = 	snop  }
0x19: {  	[tilespmem:s17], [sflag:$0x2] =	stream.indirect.gather [hbm4b:s2+s13], $0x80, s16, s13, $0xb8;
	[tilespmem:$0x11C00] =	vst v63  }
0x1a: {  	_ = 	snop  }
0x1b: {  	[tilespmem:s19], [sflag:$0x2] =	stream.indirect.gather [hbm4b:s2+s13], $0x80, s18, s13, $0xb8;
	[tilespmem:$0x11C00] =	vst v63  }
0x1c: {  	_ =	swait.ge [sflag:s20], $0x4000  }
0x1d: {  	[sflag:s20] =	ssyncset.done $0x0  }
0x1e: {  	[sflag:s20] =	ssyncadd.s32 $0xFFFFC000  }
0x1f: {  	_ =	swait.ge [sflag:s20], $0x4000  }
0x20: {  	[sflag:s20] =	ssyncset.done $0x0  }
0x21: {  	[sflag:s20] =	ssyncadd.s32 $0xFFFFC000  }
0x22: {  	[hbm4b:s6+s4] =	stream.linear.scatter [tilespmem:s14], [sflag:$0x3], $0x8000, $0x38;
	[tilespmem:$0x11C00] =	vst v63  }
0x23: {  	_ =	swait.ge [sflag:s21], $0x8000  }
0x24: {  	[sflag:s21] =	ssyncset.done $0x0  }
0x25: {  	[sflag:s21] =	ssyncadd.s32 $0xFFFF8000  }
0x26: {  	[tilespmem:s14], [sflag:$0x1] =	stream.indirect.gather [hbm4b:s2+s13], $0x80, s22, s13, $0xb8;
	[tilespmem:$0x11C00] =	vst v63  }
0x27: {  	_ = 	snop  }
0x28: {  	[tilespmem:s15], [sflag:$0x1] =	stream.indirect.gather [hbm4b:s2+s13], $0x80, s23, s13, $0xb8;
	[tilespmem:$0x11C00] =	vst v63  }
0x29: {  	_ =	swait.ge [sflag:s24], $0x4000  }
0x2a: {  	[sflag:s24] =	ssyncset.done $0x0  }
0x2b: {  	[sflag:s24] =	ssyncadd.s32 $0xFFFFC000  }
0x2c: {  	_ =	swait.ge [sflag:s24], $0x4000  }
0x2d: {  	[sflag:s24] =	ssyncset.done $0x0  }
0x2e: {  	[sflag:s24] =	ssyncadd.s32 $0xFFFFC000  }
0x2f: {  	[hbm4b:s9+s4] =	stream.linear.scatter [tilespmem:s17], [sflag:$0x4], $0x8000, $0x38;
	[tilespmem:$0x11C00] =	vst v63  }
0x30: {  	_ =	swait.ge [sflag:s25], $0x8000  }
0x31: {  	[sflag:s25] =	ssyncset.done $0x0  }
0x32: {  	s28 =	simm.s32 $0x300;
	[sflag:s25] =	ssyncadd.s32 $0xFFFF8000  }
0x33: {  	[tilespmem:s17], [sflag:$0x2] =	stream.indirect.gather [hbm4b:s2+s13], $0x80, s28, s13, $0xb8;
	[tilespmem:$0x11C00] =	vst v63  }
0x34: {  	s28 =	simm.s32 $0x380  }
0x35: {  	[tilespmem:s19], [sflag:$0x2] =	stream.indirect.gather [hbm4b:s2+s13], $0x80, s28, s13, $0xb8;
	[tilespmem:$0x11C00] =	vst v63  }
0x36: {  	_ =	swait.ge [sflag:s20], $0x4000  }
0x37: {  	[sflag:s20] =	ssyncset.done $0x0  }
0x38: {  	[sflag:s20] =	ssyncadd.s32 $0xFFFFC000  }
0x39: {  	_ =	swait.ge [sflag:s20], $0x4000  }
0x3a: {  	s28 =	sshrl.u32 s10, $0x3;
	[sflag:s20] =	ssyncset.done $0x0  }
0x3b: {  	s28 =	sadd.s32 s3, s28;
	[sflag:s20] =	ssyncadd.s32 $0xFFFFC000  }
0x3c: {  	[hbm4b:s28+s4] =	stream.linear.scatter [tilespmem:s14], [sflag:$0x3], $0x8000, $0x38;
	[tilespmem:$0x11C00] =	vst v63  }
0x3d: {  	_ =	swait.ge [sflag:s21], $0x8000  }
0x3e: {  	[sflag:s21] =	ssyncset.done $0x0  }
0x3f: {  	s28 =	simm.s32 $0x400;
	[sflag:s21] =	ssyncadd.s32 $0xFFFF8000  }
0x40: {  	[tilespmem:s14], [sflag:$0x1] =	stream.indirect.gather [hbm4b:s2+s13], $0x80, s28, s13, $0xb8;
	[tilespmem:$0x11C00] =	vst v63  }
0x41: {  	s28 =	simm.s32 $0x480  }
0x42: {  	[tilespmem:s15], [sflag:$0x1] =	stream.indirect.gather [hbm4b:s2+s13], $0x80, s28, s13, $0xb8;
	[tilespmem:$0x11C00] =	vst v63  }
0x43: {  	_ =	swait.ge [sflag:s24], $0x4000  }
0x44: {  	[sflag:s24] =	ssyncset.done $0x0  }
0x45: {  	[sflag:s24] =	ssyncadd.s32 $0xFFFFC000  }
0x46: {  	_ =	swait.ge [sflag:s24], $0x4000  }
0x47: {  	s29 =	sadd.s32 $0x10000, s10;
	s30 =	sadd.s32 $0x2000, s11;
	[sflag:s24] =	ssyncset.done $0x0  }
0x48: {  	s31 =	smov.u32 s11;
	s28 =	simm.s32 $0x800;
	[sflag:s24] =	ssyncadd.s32 $0xFFFFC000  }
.LBB2_2:
0x49: {  	[hbm4b:s31+s4] =	stream.linear.scatter [tilespmem:s17], [sflag:$0x4], $0x8000, $0x38;
	[tilespmem:$0x11C00] =	vst v63  }
0x4a: {  	s1 =	smov.u32 s28;
	s31 =	smov.u32 s30  }
0x4b: {  	p0 =	sne.s32 s28, $0x5000;
	s28 =	sadd.s32 $0x800, s28;
	_ =	swait.ge [sflag:s25], $0x8000  }
0x4c: {  	s1 =	sshra.s32 s1, $0x2;
	[sflag:s25] =	ssyncset.done $0x0  }
0x4d: {  	s0 =	sadd.s32 $0x300, s1;
	[sflag:s25] =	ssyncadd.s32 $0xFFFF8000  }
0x4e: {  	[tilespmem:s17], [sflag:$0x2] =	stream.indirect.gather [hbm4b:s2+s13], $0x80, s0, s13, $0xb8;
	[tilespmem:$0x11C00] =	vst v63  }
0x4f: {  	s0 =	sadd.s32 $0x380, s1  }
0x50: {  	[tilespmem:s19], [sflag:$0x2] =	stream.indirect.gather [hbm4b:s2+s13], $0x80, s0, s13, $0xb8;
	[tilespmem:$0x11C00] =	vst v63  }
0x51: {  	_ =	swait.ge [sflag:s20], $0x4000  }
0x52: {  	[sflag:s20] =	ssyncset.done $0x0  }
0x53: {  	[sflag:s20] =	ssyncadd.s32 $0xFFFFC000  }
0x54: {  	_ =	swait.ge [sflag:s20], $0x4000  }
0x55: {  	s0 =	sshrl.u32 s29, $0x3;
	[sflag:s20] =	ssyncset.done $0x0  }
0x56: {  	s0 =	sadd.s32 s3, s0;
	[sflag:s20] =	ssyncadd.s32 $0xFFFFC000  }
0x57: {  	[hbm4b:s0+s4] =	stream.linear.scatter [tilespmem:s14], [sflag:$0x3], $0x8000, $0x38;
	[tilespmem:$0x11C00] =	vst v63  }
0x58: {  	_ =	swait.ge [sflag:s21], $0x8000  }
0x59: {  	[sflag:s21] =	ssyncset.done $0x0  }
0x5a: {  	s0 =	sadd.s32 $0x400, s1;
	[sflag:s21] =	ssyncadd.s32 $0xFFFF8000  }
0x5b: {  	[tilespmem:s14], [sflag:$0x1] =	stream.indirect.gather [hbm4b:s2+s13], $0x80, s0, s13, $0xb8;
	[tilespmem:$0x11C00] =	vst v63  }
0x5c: {  	s0 =	sadd.s32 $0x480, s1  }
0x5d: {  	[tilespmem:s15], [sflag:$0x1] =	stream.indirect.gather [hbm4b:s2+s13], $0x80, s0, s13, $0xb8;
	[tilespmem:$0x11C00] =	vst v63  }
0x5e: {  	_ =	swait.ge [sflag:s24], $0x4000  }
.Ltmp0:
0x5f: {  	[sflag:s24] =	ssyncset.done $0x0;
	(pc) =	sbr.rel @p0 .LBB2_2-.Ltmp0, $4  }
0x60: {  	[sflag:s24] =	ssyncadd.s32 $0xFFFFC000  }
0x61: {  	_ =	swait.ge [sflag:s24], $0x4000  }
0x62: {  	[sflag:s24] =	ssyncset.done $0x0  }
0x63: {  	s30 =	sadd.s32 $0x2000, s30;
	s29 =	sadd.s32 $0x10000, s29;
	[sflag:s24] =	ssyncadd.s32 $0xFFFFC000  }
0x64: {  	[hbm4b:s31+s4] =	stream.linear.scatter [tilespmem:s17], [sflag:$0x4], $0x8000, $0x38;
	[tilespmem:$0x11C00] =	vst v63  }
0x65: {  	_ =	swait.ge [sflag:s20], $0x4000  }
0x66: {  	[sflag:s20] =	ssyncset.done $0x0  }
0x67: {  	[sflag:s20] =	ssyncadd.s32 $0xFFFFC000  }
0x68: {  	_ =	swait.ge [sflag:s20], $0x4000  }
0x69: {  	[sflag:s20] =	ssyncset.done $0x0  }
0x6a: {  	s26 =	sadd.s32 $0x1, s26;
	[sflag:s20] =	ssyncadd.s32 $0xFFFFC000  }
0x6b: {  	[hbm4b:s7+s4] =	stream.linear.scatter [tilespmem:s14], [sflag:$0x3], $0x8000, $0x38;
	[tilespmem:$0x11C00] =	vst v63  }
0x6c: {  	p0 =	sne.s32 s26, s8;
	_ =	swait.ge [sflag:s25], $0x8000  }
.Ltmp1:
0x6d: {  	[sflag:s25] =	ssyncset.done $0x0;
	(pc) =	sbr.rel @p0 .LBB2_1-.Ltmp1, $4  }
0x6e: {  	[sflag:s25] =	ssyncadd.s32 $0xFFFF8000  }
0x6f: {  	_ =	swait.ge [sflag:s21], $0x8000  }
0x70: {  	[sflag:s21] =	ssyncset.done $0x0  }
0x71: {  	[sflag:s21] =	ssyncadd.s32 $0xFFFF8000  }
0x72: {  	_ =	sfence.sel $0x180000  }
0x73: {  	[bflag:$0x0] =	sbarrier.arrive $0xFFFF  }
0x74: {  	_ =	strace $0x90000047  }
0x75: {  	s0 =	stileid.u32;
	[bflag:$0x2] =	sbarrier.arrive $0xFFFF  }
0x76: {  	p0 =	sne.s32 s0, $0x0;
	s0 =	rddreg [dreg:$0x3]  }
0x77: {  	s0 =	sadd.s32 @!p0 $0x100000, s0  }
0x78: {  	[sflag:s0] =	ssyncadd.tile.s32 @!p0 $0x1;
	_ =	shalt  }
.Lfunc_end2:
_tile_overlayer_lowered:
.L_overlay_start_2:
0x79: {  	(tag) =	ssettag $0x2  }
0x7a: {  	s0 =	rddreg [dreg:$0x0];
	s2 =	stileid.u32  }
0x7b: {  	s1 =	rddreg [dreg:$0x1];
	p0 =	sne.s32 s2, $0x0  }
0x7c: {  	s3 =	rddreg [dreg:$0x2];
	[bflag:$0x3] =	sbarrier.arrive $0xFFFF;
	s2 =	simm.s32 @!p0 $0x1C05  }
0x7d: {  	[timem:s3], [sflag:s2] =	dma.local @!p0 [hbm:s0], s1  }
0x7e: {  	s0 =	simm.s32 @!p0 $0x5  }
0x7f: {  	_ =	swait.ge @!p0 [sflag:s0], s1  }
0x80: {  	s1 =	ssub.s32 @!p0 $0x0, s1;
	[sflag:s0] =	ssyncset.done @!p0 $0x0  }
0x81: {  	[sflag:s0] =	ssyncadd.s32 @!p0 s1  }
0x82: {  	[bflag:$0x3] =	sbarrier.arrive $0xFFFF  }
0x83: {  	_ =	shalt  }

</sc_bundles>
